<compile_context>
chip_gen: v7x
topology: tpu7x:2x2x1
jax: 0.10.2.dev20260603
libtpu: 0.0.44.dev20260713+nightly
codegen_flags: <defaults>
</compile_context>

<pallas_src>
import functools

import jax
import jax.numpy as jnp
from jax import lax
from jax.experimental import pallas as pl
from jax.experimental.pallas import tpu as pltpu
from jax.experimental.pallas import tpu_sc as plsc

NC = 2
NS = 16
NW = NC * NS
EB = 128
DH = 16

_MESH = dict(core_axis_name="c", subcore_axis_name="s")



@functools.partial(jax.jit, static_argnames=("n_pad", "nb"))
def _sc_degree(dst_r, zeros1, ones_eb, *, n_pad, nb):

    @functools.partial(
        pl.kernel,
        out_type=jax.ShapeDtypeStruct((NC, n_pad), jnp.float32),
        mesh=plsc.VectorSubcoreMesh(**_MESH),
        compiler_params=pltpu.CompilerParams(use_tc_tiling_on_sc=False),
        scratch_types=[
            pltpu.VMEM((EB,), jnp.int32),
            pltpu.VMEM((EB,), jnp.float32),
            pltpu.VMEM_SHARED((n_pad,), jnp.float32),
        ],
    )
    def k(dst_hbm, zeros_hbm, ones_hbm, out_hbm, idx_v, ones_v, acc_sh):
        cid = lax.axis_index("c")
        sid = lax.axis_index("s")
        wid = sid * NC + cid
        rpt = n_pad // NS
        sl = pl.ds(sid * rpt, rpt)
        pltpu.sync_copy(zeros_hbm.at[sl], acc_sh.at[sl])
        pltpu.sync_copy(ones_hbm, ones_v)
        plsc.subcore_barrier()

        def body(j, carry):
            pltpu.sync_copy(dst_hbm.at[wid, j], idx_v)
            pltpu.sync_copy(ones_v, acc_sh.at[idx_v], add=True)
            return carry

        lax.fori_loop(0, nb, body, 0)
        plsc.subcore_barrier()
        pltpu.sync_copy(acc_sh.at[sl], out_hbm.at[cid, sl])

    return k(dst_r, zeros1, ones_eb)


@functools.partial(jax.jit, static_argnames=("n_pad", "nb"))
def _sc_aggregate(g, src_r, dst_r, zeros2, *, n_pad, nb):

    @functools.partial(
        pl.kernel,
        out_type=jax.ShapeDtypeStruct((NC, n_pad, DH), jnp.float32),
        mesh=plsc.VectorSubcoreMesh(**_MESH),
        compiler_params=pltpu.CompilerParams(use_tc_tiling_on_sc=False),
        scratch_types=[
            pltpu.VMEM((EB,), jnp.int32),
            pltpu.VMEM((EB,), jnp.int32),
            pltpu.VMEM((EB, DH), jnp.float32),
            pltpu.VMEM_SHARED((n_pad, DH), jnp.float32),
            pltpu.SemaphoreType.DMA,
        ],
    )
    def k(g_hbm, src_hbm, dst_hbm, zeros_hbm, out_hbm,
          sidx_v, didx_v, rows_v, acc_sh, sem):
        cid = lax.axis_index("c")
        sid = lax.axis_index("s")
        wid = sid * NC + cid
        rpt = n_pad // NS
        sl = pl.ds(sid * rpt, rpt)
        pltpu.sync_copy(zeros_hbm.at[sl], acc_sh.at[sl])
        plsc.subcore_barrier()

        def body(j, carry):
            pltpu.sync_copy(src_hbm.at[wid, j], sidx_v)
            pltpu.sync_copy(dst_hbm.at[wid, j], didx_v)
            pltpu.async_copy(g_hbm.at[sidx_v], rows_v, sem).wait()
            pltpu.sync_copy(rows_v, acc_sh.at[didx_v], add=True)
            return carry

        lax.fori_loop(0, nb, body, 0)
        plsc.subcore_barrier()
        pltpu.sync_copy(acc_sh.at[sl], out_hbm.at[cid, sl])

    return k(g, src_r, dst_r, zeros2)



def _tc1_body(degp_ref, x_ref, w1_ref, dis_ref, g1_ref):
    deg = 1.0 + jnp.sum(degp_ref[...], axis=1, keepdims=True)
    dis = lax.rsqrt(deg)
    h1 = jnp.dot(x_ref[...], w1_ref[...], preferred_element_type=jnp.float32)
    dis_ref[...] = jnp.broadcast_to(dis, dis_ref.shape)
    g1_ref[...] = h1 * dis


def _tc2_body(s1p_ref, g1_ref, dis_ref, b1_ref, gz_ref):
    s = s1p_ref[0] + s1p_ref[1] + g1_ref[...]
    z = jnp.maximum(dis_ref[...] * s + b1_ref[...], 0.0)
    gz_ref[...] = z * dis_ref[...]


def _tc3_body(s2p_ref, gz_ref, dis_ref, w2_ref, b2_ref, out_ref):
    a2 = dis_ref[...] * (s2p_ref[0] + s2p_ref[1] + gz_ref[...])
    o = jnp.dot(a2, w2_ref[...], preferred_element_type=jnp.float32)
    out_ref[...] = jnp.maximum(o + b2_ref[...], 0.0)



def kernel(x, edge_index, W1, b1, W2, b2):
    n, d_in = x.shape
    d_hid = W1.shape[1]
    d_out = W2.shape[1]
    e = edge_index.shape[1]

    n_pad = ((n + NW * 8) + NW * 8 - 1) // (NW * 8) * (NW * 8)
    e_pad = (e + NW * EB - 1) // (NW * EB) * (NW * EB)
    nb = e_pad // (NW * EB)
    dummy = jnp.int32(n)

    src = jnp.concatenate(
        [edge_index[0], jnp.full((e_pad - e,), dummy, jnp.int32)]).reshape(NW, nb, EB)
    dst = jnp.concatenate(
        [edge_index[1], jnp.full((e_pad - e,), dummy, jnp.int32)]).reshape(NW, nb, EB)
    x_pad = jnp.pad(x, ((0, n_pad - n), (0, 0)))
    zeros1 = jnp.zeros((n_pad,), jnp.float32)
    zeros2 = jnp.zeros((n_pad, d_hid), jnp.float32)
    ones_eb = jnp.ones((EB,), jnp.float32)
    b1r = b1.reshape(1, d_hid)
    b2r = b2.reshape(1, d_out)

    degp = _sc_degree(dst, zeros1, ones_eb, n_pad=n_pad, nb=nb)
    degp_t = jnp.swapaxes(degp, 0, 1)

    dis, g1 = pl.pallas_call(
        _tc1_body,
        out_shape=(
            jax.ShapeDtypeStruct((n_pad, d_hid), jnp.float32),
            jax.ShapeDtypeStruct((n_pad, d_hid), jnp.float32),
        ),
    )(degp_t, x_pad, W1)

    s1p = _sc_aggregate(g1, src, dst, zeros2, n_pad=n_pad, nb=nb)

    gz = pl.pallas_call(
        _tc2_body,
        out_shape=jax.ShapeDtypeStruct((n_pad, d_hid), jnp.float32),
    )(s1p, g1, dis, b1r)

    s2p = _sc_aggregate(gz, src, dst, zeros2, n_pad=n_pad, nb=nb)

    out = pl.pallas_call(
        _tc3_body,
        out_shape=jax.ShapeDtypeStruct((n_pad, d_out), jnp.float32),
    )(s2p, gz, dis, W2, b2r)

    return out[:n]

# --- scband reference (transcript-rebuilt; emitter-appended) ---
"""Pipeline reference for scband-gcn-2layer-22582938042901 (READ-ONLY COPY).

The authoritative reference and input builder live on the scoring server;
editing this copy changes nothing except your own understanding.
"""

import jax, jax.numpy as jnp
import numpy as np

N = 10000
E = 320000
D_IN = 128
D_HID = 16
D_OUT = 128


def setup_inputs(seed: int = 0) -> dict:
    key = jax.random.key(seed)
    k1, k2, k3, k4 = jax.random.split(key, 4)
    x = jax.random.normal(k1, (N, D_IN), dtype=jnp.float32)
    edge_index = jax.random.randint(k2, (2, E), 0, N, dtype=jnp.int32)
    # GCNConv weights (glorot-style scale) and biases
    W1 = jax.random.normal(k3, (D_IN, D_HID), dtype=jnp.float32) * (1.0 / np.sqrt(D_IN))
    b1 = jnp.zeros((D_HID,), dtype=jnp.float32)
    W2 = jax.random.normal(k4, (D_HID, D_OUT), dtype=jnp.float32) * (1.0 / np.sqrt(D_HID))
    b2 = jnp.zeros((D_OUT,), dtype=jnp.float32)
    return {"x": x, "edge_index": edge_index, "W1": W1, "b1": b1, "W2": W2, "b2": b2}


def gcn_conv(x, edge_index, W, b):
    # PyG GCNConv: add self-loops, symmetric normalization, linear, scatter-add aggregate
    n = x.shape[0]
    loop = jnp.arange(n, dtype=edge_index.dtype)
    src = jnp.concatenate([edge_index[0], loop])
    dst = jnp.concatenate([edge_index[1], loop])
    deg = jnp.zeros((n,), dtype=x.dtype).at[dst].add(1.0)
    deg_inv_sqrt = jnp.where(deg > 0, deg ** -0.5, 0.0)
    norm = deg_inv_sqrt[src] * deg_inv_sqrt[dst]
    h = x @ W
    msgs = h[src] * norm[:, None]
    out = jnp.zeros((n, W.shape[1]), dtype=x.dtype).at[dst].add(msgs)
    return out + b


def reference(x, edge_index, W1, b1, W2, b2):
    h = gcn_conv(x, edge_index, W1, b1)
    h = jax.nn.relu(h)
    # dropout is identity in eval mode
    out = gcn_conv(h, edge_index, W2, b2)
    return jax.nn.relu(out)

if __name__ == "__main__":
    import jax
    _d = setup_inputs()
    print(jax.jit(kernel)(*tuple(_d.values())))

</pallas_src>

<mosaic_0001>
#map = affine_map<(d0, d1) -> (0, 0, 0)>
#map1 = affine_map<(d0, d1) -> (0)>
#map2 = affine_map<(d0, d1) -> (0, 0)>
module attributes {stable_mosaic.version = 14 : i64} {
  func.func @k(%arg0: i32, %arg1: i32, %arg2: memref<32x79x128xi32, #tpu.memory_space<hbm>>, %arg3: memref<10496xf32, #tpu.memory_space<hbm>>, %arg4: memref<128xf32, #tpu.memory_space<hbm>>, %arg5: memref<2x10496xf32, #tpu.memory_space<hbm>>, %arg6: memref<128xi32, #tpu.memory_space<vmem>>, %arg7: memref<128xf32, #tpu.memory_space<vmem>>, %arg8: memref<10496xf32, #tpu.memory_space<vmem_shared>>) attributes {dimension_semantics = [#tpu.dimension_semantics<core_parallel>, #tpu.dimension_semantics<subcore_parallel>], iteration_bounds = array<i64: 2, 16>, scalar_prefetch = 0 : i64, scratch_operands = 3 : i64, tpu.core_type = #tpu.core_type<sc_vector_subcore>, window_params = [{transform_indices = #map}, {transform_indices = #map1}, {transform_indices = #map1}, {transform_indices = #map2}]} {
    %mul3A = arith.constant 2 : i32
    %mul3A_0 = arith.muli %arg1, %mul3A : i32
    %add3A = arith.addi %mul3A_0, %arg0 : i32
    %mul3A_1 = arith.constant 656 : i32
    %mul3A_2 = arith.muli %arg1, %mul3A_1 : i32
    "tpu.region"() ({
      %run_scoped3A = tpu.sem_alloc : memref<!tpu.dma_semaphore, #tpu.memory_space<semaphore_mem>>
      %dma_start3A = tpu.memref_slice %arg8[%mul3A_2] : memref<10496xf32, #tpu.memory_space<vmem_shared>> -> memref<656xf32, #tpu.memory_space<vmem_shared>>
      %dma_start3A_9 = tpu.memref_slice %arg3[%mul3A_2] : memref<10496xf32, #tpu.memory_space<hbm>> -> memref<656xf32, #tpu.memory_space<hbm>>
      tpu.enqueue_dma source(%dma_start3A_9 : memref<656xf32, #tpu.memory_space<hbm>>) target(%dma_start3A : memref<656xf32, #tpu.memory_space<vmem_shared>>) target_semaphore(%run_scoped3A : memref<!tpu.dma_semaphore, #tpu.memory_space<semaphore_mem>>)
      %dma_wait3A = tpu.memref_slice %arg8[%mul3A_2] : memref<10496xf32, #tpu.memory_space<vmem_shared>> -> memref<656xf32, #tpu.memory_space<vmem_shared>>
      %dma_wait3A_10 = tpu.memref_slice %arg3[%mul3A_2] : memref<10496xf32, #tpu.memory_space<hbm>> -> memref<656xf32, #tpu.memory_space<hbm>>
      tpu.wait_dma2 semaphore(%run_scoped3A : memref<!tpu.dma_semaphore, #tpu.memory_space<semaphore_mem>>) src(%dma_wait3A_10 : memref<656xf32, #tpu.memory_space<hbm>>) dst(%dma_wait3A : memref<656xf32, #tpu.memory_space<vmem_shared>>)
      tpu.yield
    }) : () -> ()
    "tpu.region"() ({
      %run_scoped3A = tpu.sem_alloc : memref<!tpu.dma_semaphore, #tpu.memory_space<semaphore_mem>>
      tpu.enqueue_dma source(%arg4 : memref<128xf32, #tpu.memory_space<hbm>>) target(%arg7 : memref<128xf32, #tpu.memory_space<vmem>>) target_semaphore(%run_scoped3A : memref<!tpu.dma_semaphore, #tpu.memory_space<semaphore_mem>>)
      tpu.wait_dma2 semaphore(%run_scoped3A : memref<!tpu.dma_semaphore, #tpu.memory_space<semaphore_mem>>) src(%arg4 : memref<128xf32, #tpu.memory_space<hbm>>) dst(%arg7 : memref<128xf32, #tpu.memory_space<vmem>>)
      tpu.yield
    }) : () -> ()
    %barrier3A = arith.constant 0 : index
    tpu.barrier barrier_id(%barrier3A)
    %scan3A = arith.constant 0 : i32
    %scan3A_3 = arith.constant 0 : i32
    %scan3A_4 = arith.constant 79 : i32
    %scan3A_5 = arith.addi %scan3A_3, %scan3A_4 : i32
    %scan3A_6 = arith.constant 1 : i32
    scf.for %scan3A_9 = %scan3A_3 to %scan3A_5 step %scan3A_6  : i32 {
      "tpu.region"() ({
        %run_scoped3A = tpu.sem_alloc : memref<!tpu.dma_semaphore, #tpu.memory_space<semaphore_mem>>
        %dma_start3A = arith.constant 0 : i32
        %dma_start3A_10 = tpu.memref_slice %arg2[%add3A, %scan3A_9, %dma_start3A] : memref<32x79x128xi32, #tpu.memory_space<hbm>> -> memref<1x1x128xi32, #tpu.memory_space<hbm>>
        %dma_start3A_11 = tpu.memref_squeeze %dma_start3A_10 : memref<1x1x128xi32, #tpu.memory_space<hbm>> -> memref<128xi32, #tpu.memory_space<hbm>>
        %dma_start3A_12 = arith.constant 0 : i32
        %dma_start3A_13 = tpu.memref_slice %arg2[%add3A, %scan3A_9, %dma_start3A_12] : memref<32x79x128xi32, #tpu.memory_space<hbm>> -> memref<1x1x128xi32, #tpu.memory_space<hbm>>
        %dma_start3A_14 = tpu.memref_squeeze %dma_start3A_13 : memref<1x1x128xi32, #tpu.memory_space<hbm>> -> memref<128xi32, #tpu.memory_space<hbm>>
        tpu.enqueue_dma source(%dma_start3A_14 : memref<128xi32, #tpu.memory_space<hbm>>) target(%arg6 : memref<128xi32, #tpu.memory_space<vmem>>) target_semaphore(%run_scoped3A : memref<!tpu.dma_semaphore, #tpu.memory_space<semaphore_mem>>)
        %dma_wait3A = arith.constant 0 : i32
        %dma_wait3A_15 = tpu.memref_slice %arg2[%add3A, %scan3A_9, %dma_wait3A] : memref<32x79x128xi32, #tpu.memory_space<hbm>> -> memref<1x1x128xi32, #tpu.memory_space<hbm>>
        %dma_wait3A_16 = tpu.memref_squeeze %dma_wait3A_15 : memref<1x1x128xi32, #tpu.memory_space<hbm>> -> memref<128xi32, #tpu.memory_space<hbm>>
        %dma_wait3A_17 = arith.constant 0 : i32
        %dma_wait3A_18 = tpu.memref_slice %arg2[%add3A, %scan3A_9, %dma_wait3A_17] : memref<32x79x128xi32, #tpu.memory_space<hbm>> -> memref<1x1x128xi32, #tpu.memory_space<hbm>>
        %dma_wait3A_19 = tpu.memref_squeeze %dma_wait3A_18 : memref<1x1x128xi32, #tpu.memory_space<hbm>> -> memref<128xi32, #tpu.memory_space<hbm>>
        tpu.wait_dma2 semaphore(%run_scoped3A : memref<!tpu.dma_semaphore, #tpu.memory_space<semaphore_mem>>) src(%dma_wait3A_19 : memref<128xi32, #tpu.memory_space<hbm>>) dst(%arg6 : memref<128xi32, #tpu.memory_space<vmem>>)
        tpu.yield
      }) : () -> ()
      "tpu.region"() ({
        %run_scoped3A = tpu.sem_alloc : memref<!tpu.dma_semaphore, #tpu.memory_space<semaphore_mem>>
        %dma_start3A = arith.constant 0 : i32
        %dma_start3A_10 = tpu.memref_slice %arg8[%dma_start3A] : memref<10496xf32, #tpu.memory_space<vmem_shared>> -> memref<10496xf32, #tpu.memory_space<vmem_shared>>
        tpu.enqueue_indirect_dma source(%arg7 : memref<128xf32, #tpu.memory_space<vmem>>) target(%dma_start3A_10 : memref<10496xf32, #tpu.memory_space<vmem_shared>>) offsets(%arg6 : memref<128xi32, #tpu.memory_space<vmem>>) semaphore(%run_scoped3A : memref<!tpu.dma_semaphore, #tpu.memory_space<semaphore_mem>>) {add = true}
        %dma_wait3A = arith.constant 0 : i32
        %dma_wait3A_11 = tpu.memref_slice %arg8[%dma_wait3A] : memref<10496xf32, #tpu.memory_space<vmem_shared>> -> memref<10496xf32, #tpu.memory_space<vmem_shared>>
        tpu.wait_indirect_dma semaphore(%run_scoped3A : memref<!tpu.dma_semaphore, #tpu.memory_space<semaphore_mem>>) src(%arg7 : memref<128xf32, #tpu.memory_space<vmem>>) dst(%dma_wait3A_11 : memref<10496xf32, #tpu.memory_space<vmem_shared>>)
        tpu.yield
      }) : () -> ()
    }
    %scan3A_7 = arith.constant 79 : i32
    %barrier3A_8 = arith.constant 0 : index
    tpu.barrier barrier_id(%barrier3A_8)
    "tpu.region"() ({
      %run_scoped3A = tpu.sem_alloc : memref<!tpu.dma_semaphore, #tpu.memory_space<semaphore_mem>>
      %dma_start3A = tpu.memref_slice %arg5[%arg0, %mul3A_2] : memref<2x10496xf32, #tpu.memory_space<hbm>> -> memref<1x656xf32, #tpu.memory_space<hbm>>
      %dma_start3A_9 = tpu.memref_squeeze %dma_start3A : memref<1x656xf32, #tpu.memory_space<hbm>> -> memref<656xf32, #tpu.memory_space<hbm>>
      %dma_start3A_10 = tpu.memref_slice %arg8[%mul3A_2] : memref<10496xf32, #tpu.memory_space<vmem_shared>> -> memref<656xf32, #tpu.memory_space<vmem_shared>>
      tpu.enqueue_dma source(%dma_start3A_10 : memref<656xf32, #tpu.memory_space<vmem_shared>>) target(%dma_start3A_9 : memref<656xf32, #tpu.memory_space<hbm>>) target_semaphore(%run_scoped3A : memref<!tpu.dma_semaphore, #tpu.memory_space<semaphore_mem>>)
      %dma_wait3A = tpu.memref_slice %arg5[%arg0, %mul3A_2] : memref<2x10496xf32, #tpu.memory_space<hbm>> -> memref<1x656xf32, #tpu.memory_space<hbm>>
      %dma_wait3A_11 = tpu.memref_squeeze %dma_wait3A : memref<1x656xf32, #tpu.memory_space<hbm>> -> memref<656xf32, #tpu.memory_space<hbm>>
      %dma_wait3A_12 = tpu.memref_slice %arg8[%mul3A_2] : memref<10496xf32, #tpu.memory_space<vmem_shared>> -> memref<656xf32, #tpu.memory_space<vmem_shared>>
      tpu.wait_dma2 semaphore(%run_scoped3A : memref<!tpu.dma_semaphore, #tpu.memory_space<semaphore_mem>>) src(%dma_wait3A_12 : memref<656xf32, #tpu.memory_space<vmem_shared>>) dst(%dma_wait3A_11 : memref<656xf32, #tpu.memory_space<hbm>>)
      tpu.yield
    }) : () -> ()
    return
  }
}

</mosaic_0001>

<sc_bundles>
// kernel: _sc_degree.3.cloned.1.call-start
scs
__scs_entry_jumppad:
0x0: {  	(pc) =	sbr.rel $0x88, $3  }
0x1: {  	(tag) =	ssettag $0x0;
	lr =	simm.s32 $0x1  }
0x2: {  	[smem:$0x3F9E] =	sst lr;
	_ =	strace $0xD0000000  }
0x3: {  	_ = 	snop  }
0x4: {  	_ = 	snop  }
0x5: {  	_ = 	snop  }
0x6: {  	_ = 	snop  }
0x7: {  	_ = 	snop  }
__scs_overlays_trampoline_lowered:
0x8: {  	[smem:$0x3FAD] =	sst s0  }
0x9: {  	[smem:$0x3FAE] =	sst s1  }
0xa: {  	[smem:$0x3FAF] =	sst s2  }
0xb: {  	[smem:$0x3FB0] =	sst s3  }
0xc: {  	[smem:$0x3FB1] =	sst s4  }
0xd: {  	[smem:$0x3FB2] =	sst s5  }
0xe: {  	[smem:$0x3FB3] =	sst s6  }
0xf: {  	[smem:$0x3FB4] =	sst s7  }
0x10: {  	[smem:$0x3FB5] =	sst s8  }
0x11: {  	[smem:$0x3FB6] =	sst s9;
	s0 =	simm.s32 @!p0 $0x0  }
0x12: {  	s1 =	sld [smem:$0x3F9C];
	s0 =	simm.s32 @p0 $0x1  }
0x13: {  	[smem:$0x3FB7] =	sst s0;
	s0 =	simm.s32 @!p1 $0x0  }
0x14: {  	s2 =	sld [smem:$0x3F9B];
	s0 =	simm.s32 @p1 $0x1  }
0x15: {  	[smem:$0x3FB8] =	sst s0;
	s0 =	simm.s32 @!p2 $0x0  }
0x16: {  	s3 =	sld [smem:$0x3FDB];
	s0 =	simm.s32 @p2 $0x1  }
0x17: {  	s4 =	simm.s32 $0x1BF5;
	[smem:$0x3FBA] =	sst s0  }
0x18: {  	s0 =	sld [smem:$0x3F9D];
	_ =	swait.ge [sflag:s4], $0x0  }
0x19: {  	s7 =	sld [smem:$0x3F9E]  }
0x1a: {  	s8 =	sadd.s32 $0xFFFFE003, lr  }
0x1b: {  	s9 =	sadd.s32 $0xFFFFFEF7, lr;
	s5 =	simm.s32 $0xFFFFFFFF;
	p2 =	slt.u32 s8, $0xFFFFF086  }
0x1c: {  	p1 =	slt.u32 s9, $0xF7A;
	s5 =	simm.s32 @!p2 $0x0  }
0x1d: {  	s5 =	simm.s32 @p1 $0x1;
	p0 =	seq.s32 s7, s2  }
0x1e: {  	s7 =	smul.u32 @!p0 $0xF7A, s2;
	p2 =	seq.s32 @!p0 s5, $0x0  }
0x1f: {  	s9 =	smul.u32 $0xF7A, s1;
	s8 =	simm.s32 @!p0 $0x1BF5;
	p2 =	por !p2, p0  }
0x20: {  	[sflag:s8] =	ssyncset.s32 @!p0 $0xFFFFF086;
	s6 =	sadd.s32 @!p0 s3, s7;
	s7 =	simm.s32 @!p0 $0x108  }
0x21: {  	s3 =	sadd.s32 s3, s9;
	s6 =	sadd.s32 @!p0 $0x88, s6;
	s7 =	simm.s32 @p2 $0x1082  }
0x22: {  	[simem:s7], [sflag:s8] =	dma.local @!p0 [hbm:s6], $0xF7A  }
0x23: {  	s9 =	sor.u32 $0xD0000000, s2;
	s6 =	simm.s32 $0x108;
	_ =	swait.ge @!p0 [sflag:s8], $0x0  }
0x24: {  	s3 =	sadd.s32 $0x88, s3;
	s6 =	simm.s32 @!p1 $0x1082;
	[sflag:s4] =	ssyncset.s32 $0xFFFFF086  }
0x25: {  	[simem:s6], [sflag:s4] =	dma.local [hbm:s3], $0xF7A  }
0x26: {  	[smem:$0x3F9E] =	sst s1;
	(tag) =	ssettag s2;
	_ =	strace s9  }
0x27: {  	s1 =	sld [smem:$0x3FAE]  }
0x28: {  	s2 =	sld [smem:$0x3FAF]  }
0x29: {  	s4 =	sld [smem:$0x3FB1]  }
0x2a: {  	p0 =	seq.s32 s5, $0x0;
	s5 =	sld [smem:$0x3FB2]  }
0x2b: {  	s6 =	sld [smem:$0x3FB3]  }
0x2c: {  	s7 =	sld [smem:$0x3FB4]  }
0x2d: {  	s3 =	simm.s32 $0x108;
	s8 =	sld [smem:$0x3FB5]  }
0x2e: {  	s3 =	simm.s32 @!p0 $0x1082;
	s9 =	sld [smem:$0x3FB6]  }
0x2f: {  	lr =	sadd.s32 s0, s3;
	s0 =	sld [smem:$0x3FAD]  }
0x30: {  	s3 =	sld [smem:$0x3FB0]  }
0x31: {  	[smem:$0x3FB9] =	sst s10  }
0x32: {  	s10 =	sld [smem:$0x3FB7];
	_ =	sdelay $0x3  }
0x33: {  	p0 =	seq.s32 s10, $0x1;
	s10 =	sld [smem:$0x3FB9];
	_ =	sdelay $0x3  }
0x34: {  	[smem:$0x3FB9] =	sst s10  }
0x35: {  	s10 =	sld [smem:$0x3FB8];
	_ =	sdelay $0x3  }
0x36: {  	p1 =	seq.s32 s10, $0x1;
	s10 =	sld [smem:$0x3FB9];
	_ =	sdelay $0x3  }
0x37: {  	[smem:$0x3FB9] =	sst s10  }
0x38: {  	s10 =	sld [smem:$0x3FBA]  }
0x39: {  	_ = 	snop;
	(pc) =	sbr.ind lr, $3  }
0x3a: {  	_ = 	snop  }
0x3b: {  	_ = 	snop  }
0x3c: {  	p2 =	seq.s32 s10, $0x1;
	s10 =	sld [smem:$0x3FB9]  }
0x3d: {  	_ =	shalt  }
0x3e: {  	_ =	shalt  }
0x3f: {  	_ =	shalt  }
0x40: {  	_ =	shalt  }
0x41: {  	_ =	shalt  }
0x42: {  	_ =	shalt  }
0x43: {  	_ =	shalt  }
0x44: {  	_ =	shalt  }
0x45: {  	_ =	shalt  }
0x46: {  	_ =	shalt  }
0x47: {  	_ =	shalt  }
0x48: {  	_ =	shalt  }
0x49: {  	_ =	shalt  }
0x4a: {  	_ =	shalt  }
0x4b: {  	_ =	shalt  }
0x4c: {  	_ =	shalt  }
0x4d: {  	_ =	shalt  }
0x4e: {  	_ =	shalt  }
0x4f: {  	_ =	shalt  }
0x50: {  	_ =	shalt  }
0x51: {  	_ =	shalt  }
0x52: {  	_ =	shalt  }
0x53: {  	_ =	shalt  }
0x54: {  	_ =	shalt  }
0x55: {  	_ =	shalt  }
0x56: {  	_ =	shalt  }
0x57: {  	_ =	shalt  }
0x58: {  	_ =	shalt  }
0x59: {  	_ =	shalt  }
0x5a: {  	_ =	shalt  }
0x5b: {  	_ =	shalt  }
0x5c: {  	_ =	shalt  }
0x5d: {  	_ =	shalt  }
0x5e: {  	_ =	shalt  }
0x5f: {  	_ =	shalt  }
0x60: {  	_ =	shalt  }
0x61: {  	_ =	shalt  }
0x62: {  	_ =	shalt  }
0x63: {  	_ =	shalt  }
0x64: {  	_ =	shalt  }
0x65: {  	_ =	shalt  }
0x66: {  	_ =	shalt  }
0x67: {  	_ =	shalt  }
0x68: {  	_ =	shalt  }
0x69: {  	_ =	shalt  }
0x6a: {  	_ =	shalt  }
0x6b: {  	_ =	shalt  }
0x6c: {  	_ =	shalt  }
0x6d: {  	_ =	shalt  }
0x6e: {  	_ =	shalt  }
0x6f: {  	_ =	shalt  }
0x70: {  	_ =	shalt  }
0x71: {  	_ =	shalt  }
0x72: {  	_ =	shalt  }
0x73: {  	_ =	shalt  }
0x74: {  	_ =	shalt  }
0x75: {  	_ =	shalt  }
0x76: {  	_ =	shalt  }
0x77: {  	_ =	shalt  }
0x78: {  	_ =	shalt  }
0x79: {  	_ =	shalt  }
0x7a: {  	_ =	shalt  }
0x7b: {  	_ =	shalt  }
0x7c: {  	_ =	shalt  }
0x7d: {  	_ =	shalt  }
0x7e: {  	_ =	shalt  }
0x7f: {  	_ =	shalt  }
0x80: {  	_ =	shalt  }
0x81: {  	_ =	shalt  }
0x82: {  	_ =	shalt  }
0x83: {  	_ =	shalt  }
0x84: {  	_ =	shalt  }
0x85: {  	_ =	shalt  }
0x86: {  	_ =	shalt  }
0x87: {  	_ =	shalt  }
.Lfunc_end0:
.L_simem_size_0:
called_computation_lowered:
.L_overlay_start_0:
0x88: {  	s2 =	sld [smem:$0x3FD9]  }
0x89: {  	s3 =	sld [smem:$0x3FFE];
	_ =	sdelay $0x1  }
0x8a: {  	s1 =	srdreg.scid  }
0x8b: {  	s0 =	sand.u32 $0x1, s1  }
0x8c: {  	s17 =	sshll.u32 s0, $0xA;
	s2 =	sadd.s32 s3, s2  }
0x8d: {  	s2 =	sadd.s32 s2, s17  }
0x8e: {  	[smem:$0x3FC5] =	sst s2  }
0x8f: {  	_ = 	snop  }
0x90: {  	s2 =	sld [smem:$0x3FC8]  }
0x91: {  	s18 =	sld [smem:$0x3FC7];
	(tm) =	ssettm $0x1  }
0x92: {  	s4 =	sld [smem:$0x3FFB];
	_ =	sdelay $0x3  }
0x93: {  	_ =	strace s4  }
0x94: {  	s4 =	sld [smem:$0x3FFC];
	_ =	sdelay $0x3  }
0x95: {  	_ =	strace s4  }
0x96: {  	s4 =	sld [smem:$0x3FFD];
	_ =	sdelay $0x3  }
0x97: {  	_ =	strace s4  }
0x98: {  	_ =	strace $0x8FFFFFFF  }
0x99: {  	s19 =	sld [smem:$0x3FDB];
	_ =	sdelay $0x1  }
0x9a: {  	s5 =	simm.s32 $_scs_section_size  }
0x9b: {  	s6 =	simm.s32 $_size__tile_overlayer_lowered;
	s7 =	simm.s32 $_tile_overlayer_lowered  }
0x9c: {  	s22 =	simm.s32 $0x1BFF;
	s21 =	sshll.u32 s7, $0x1;
	s4 =	sadd.s32 s5, s19  }
0x9d: {  	s8 =	simm.s32 $0x0;
	s20 =	sshll.u32 s6, $0x1;
	s6 =	sadd.s32 s21, s4  }
0x9e: {  	[timem:s8], [sflag:s22] =	dma.local [hbm:s6], s20  }
0x9f: {  	_ =	swait.ge [sflag:s22], s20  }
0xa0: {  	s5 =	ssub.s32 $0x0, s20;
	[sflag:s22] =	ssyncset.done $0x0  }
0xa1: {  	[sflag:s22] =	ssyncadd.s32 s5;
	_ =	sdelay $0x1  }
0xa2: {  	s23 =	simm.s32 $0x1B8B  }
0xa3: {  	_ =	swait.ge [sflag:s23], $0x1  }
0xa4: {  	[sflag:s23] =	ssyncset.done $0x0  }
0xa5: {  	s25 =	simm.s32 $0x1B8E;
	s24 =	sld [smem:$0x3FFE];
	[sflag:s23] =	ssyncadd.s32 $0xFFFFFFFF  }
0xa6: {  	s26 =	simm.s32 $execute0_lowered;
	[smem:$0x3FD2] =	sst s25  }
0xa7: {  	s6 =	sshll.u32 s26, $0x1;
	_ =	strace $0x80000046;
	[dreg:$0x1] =	wrdreg $0xFFFFFFFF  }
0xa8: {  	s28 =	simm.s32 $_size_execute0_lowered;
	s4 =	sadd.s32 s4, s6;
	[dreg:$0x0] =	wrdreg $0x0  }
0xa9: {  	s6 =	sshll.u32 s28, $0x1;
	[dreg:$0x2] =	wrdreg s4  }
0xaa: {  	[dreg:$0x3] =	wrdreg s6  }
0xab: {  	[dreg:$0x4] =	wrdreg $0xC0  }
0xac: {  	_ =	task [dreg:s8], $0x5FFFF  }
0xad: {  	[dreg:$0x1] =	wrdreg $0xFFFFFFFF  }
0xae: {  	[dreg:$0x0] =	wrdreg $0x60  }
0xaf: {  	[dreg:$0x2] =	wrdreg s24  }
0xb0: {  	[dreg:$0x3] =	wrdreg s2  }
0xb1: {  	[dreg:$0x4] =	wrdreg s18  }
0xb2: {  	[dreg:$0x5] =	wrdreg $0x1000  }
0xb3: {  	[dreg:$0x6] =	wrdreg $0x9  }
0xb4: {  	_ =	task.clear_ibuf [dreg:s8], $0x7FFFF;
	_ =	strace $0x90000046  }
0xb5: {  	s29 =	simm.s32 $0x9;
	_ =	strace $0x80000048  }
0xb6: {  	_ =	swait.ge [sflag:s29], $0x1  }
0xb7: {  	[sflag:s29] =	ssyncadd.s32 $0xFFFFFFFF  }
0xb8: {  	_ =	strace $0x90000048  }
0xb9: {  	_ =	sfence  }
0xba: {  	s30 =	sld [smem:$0x0];
	_ =	sdelay $0x2  }
0xbb: {  	s31 =	sshll.u32 s1, $0xD;
	s1 =	sshrl.u32 s1, $0x2  }
0xbc: {  	s3 =	sand.u32 $0x4000, s31;
	s1 =	sadd.s32 s1, s30  }
0xbd: {  	s0 =	sor.u32 s3, s0;
	s1 =	sshll.u32 s1, $0x11  }
0xbe: {  	s0 =	sor.u32 s1, s0  }
0xbf: {  	s0 =	sadd.s32 $0x8F2B, s0  }
0xc0: {  	[sflag:s0] =	ssyncadd.remote.s32 $0x1  }
0xc1: {  	_ =	sfence.sel $0xFFFF  }
0xc2: {  	[dreg:$0x0] =	wrdreg $0xFFFFFFFF;
	(pc) =	sbr.abs _section_cstart, $3  }
0xc3: {  	[dreg:$0x1] =	wrdreg $0xFFFFFFFF  }
0xc4: {  	_ =	task.clear_ibuf [dreg:s8], $0x2FFFF;
	_ =	strace $0x9FFFFFFF  }
0xc5: {  	(tm) =	ssettm $0x7FFFFFFF  }
tec
execute0_lowered:
.L_overlay_start_1:
0x0: {  	(tag) =	ssettag $0x1  }
0x1: {  	s5 =	rddreg [dreg:$0x0]  }
0x2: {  	s6 =	rddreg [dreg:$0x1]  }
0x3: {  	s1 =	srdreg.scid;
	s2 =	rddreg [dreg:$0x2]  }
0x4: {  	s0 =	stileid.u32;
	s3 =	rddreg [dreg:$0x3]  }
0x5: {  	s4 =	simm.s32 $0x0;
	s13 =	simm.s32 $0x0;
	s8 =	smul.u32 $0x4F00, s0  }
0x6: {  	s7 =	sand.u32 $0x1, s1;
	s1 =	rddreg [dreg:$0x4];
	s10 =	smul.u32 $0x290, s0  }
0x7: {  	[smem:$0x7FF] =	sst s4;
	s31 =	sshll.u32 s0, $0x6;
	s9 =	smul.u32 $0x2780, s7  }
0x8: {  	s11 =	smul.u32 $0x2900, s7;
	_ =	strace $0x80000047;
	s7 =	ssub.s32 $0x2, s7  }
0x9: {  	s25 =	sshrl.u32 s7, $0x1;
	s29 =	sadd.s32 s10, s3;
	s30 =	sshrl.u32 s10, $0x3  }
0xa: {  	s8 =	sadd.s32 s9, s8;
	s24 =	sadd.s32 s10, s11;
	s28 =	ssub.s32 s7, s25  }
0xb: {  	s10 =	sshrl.u32 s29, $0x3;
	s8 =	sshrl.u32 s8, $0x3;
	s9 =	sshrl.u32 s24, $0x3  }
0xc: {  	s11 =	simm.s32 $0x1;
	s12 =	sadd.s32 s8, s5;
	s26 =	sadd.s32 s9, s5  }
0xd: {  	s5 =	sadd.s32 s6, s30;
	s6 =	sor.u32 $0x1C01, s31;
	s8 =	smax.u32 s28, $0x1  }
0xe: {  	s7 =	sadd.s32 $0xA200, s26;
	s9 =	sadd.s32 $0x400, s12;
	s12 =	simm.s32 $0x80  }
.LBB2_1:
0xf: {  	[spmem:s10], [sflag:s6] =	dma.local [hbm:s5], $0x52  }
0x10: {  	_ =	swait.ge [sflag:s11], $0x52  }
0x11: {  	[sflag:s11] =	ssyncset.done $0x0  }
0x12: {  	[sflag:s11] =	ssyncadd.s32 $0xFFFFFFAE  }
0x13: {  	[tilespmem:s12], [sflag:$0x1] =	stream.linear.gather [hbm4b:s2+s4], $0x80, $0x38;
	[tilespmem:$0x390] =	vst v63  }
0x14: {  	_ =	swait.ge [sflag:s11], $0x80  }
0x15: {  	[sflag:s11] =	ssyncset.done $0x0  }
0x16: {  	[sflag:s11] =	ssyncadd.s32 $0xFFFFFF80  }
0x17: {  	s14 =	sadd.s32 $0x0, s9;
	[bflag:$0x0] =	sbarrier.arrive $0xFFFF  }
0x18: {  	[tilespmem:s4], [sflag:$0x1] =	stream.linear.gather [hbm4b:s14+s4], $0x80, $0x38;
	[tilespmem:$0x390] =	vst v63  }
0x19: {  	_ =	swait.ge [sflag:s11], $0x80  }
0x1a: {  	[sflag:s11] =	ssyncset.done $0x0  }
0x1b: {  	[sflag:s11] =	ssyncadd.s32 $0xFFFFFF80  }
0x1c: {  	[spmem:s3] =	stream.indirect.scatter.add.f32 [tilespmem:s12], [sflag:$0x1], $0x1, s4, s12, $0xb8;
	[tilespmem:$0x390] =	vst v63  }
0x1d: {  	_ =	swait.ge [sflag:s11], $0x80  }
0x1e: {  	s15 =	simm.s32 $0x20;
	s14 =	simm.s32 $0x10;
	[sflag:s11] =	ssyncset.done $0x0  }
.LBB2_2:
0x1f: {  	s16 =	sadd.s32 s14, s9  }
0x20: {  	[sflag:s11] =	ssyncadd.s32 $0xFFFFFF80;
	s14 =	smov.u32 s15;
	s17 =	sadd.s32 $0x10, s15  }
0x21: {  	[tilespmem:s4], [sflag:$0x1] =	stream.linear.gather [hbm4b:s16+s4], $0x80, $0x38;
	[tilespmem:$0x390] =	vst v63  }
0x22: {  	p0 =	sne.s32 s15, $0x4E0;
	_ =	swait.ge [sflag:s11], $0x80  }
.Ltmp0:
0x23: {  	[sflag:s11] =	ssyncset.done $0x0;
	(pc) =	sbr.rel @p0 .LBB2_2-.Ltmp0, $4  }
0x24: {  	[sflag:s11] =	ssyncadd.s32 $0xFFFFFF80  }
0x25: {  	[spmem:s3] =	stream.indirect.scatter.add.f32 [tilespmem:s12], [sflag:$0x1], $0x1, s4, s12, $0xb8;
	[tilespmem:$0x390] =	vst v63  }
0x26: {  	_ =	swait.ge [sflag:s11], $0x80  }
0x27: {  	s15 =	smov.u32 s17;
	[sflag:s11] =	ssyncset.done $0x0  }
0x28: {  	s14 =	sadd.s32 s14, s9;
	[sflag:s11] =	ssyncadd.s32 $0xFFFFFF80  }
0x29: {  	[tilespmem:s4], [sflag:$0x1] =	stream.linear.gather [hbm4b:s14+s4], $0x80, $0x38;
	[tilespmem:$0x390] =	vst v63  }
0x2a: {  	_ =	swait.ge [sflag:s11], $0x80  }
0x2b: {  	[sflag:s11] =	ssyncset.done $0x0  }
0x2c: {  	[sflag:s11] =	ssyncadd.s32 $0xFFFFFF80  }
0x2d: {  	[spmem:s3] =	stream.indirect.scatter.add.f32 [tilespmem:s12], [sflag:$0x1], $0x1, s4, s12, $0xb8;
	[tilespmem:$0x390] =	vst v63  }
0x2e: {  	_ =	swait.ge [sflag:s11], $0x80  }
0x2f: {  	s13 =	sadd.s32 $0x1, s13;
	[sflag:s11] =	ssyncset.done $0x0  }
0x30: {  	p0 =	sne.s32 s13, s8;
	[sflag:s11] =	ssyncadd.s32 $0xFFFFFF80  }
.Ltmp1:
0x31: {  	[bflag:$0x0] =	sbarrier.arrive $0xFFFF;
	(pc) =	sbr.rel @p0 .LBB2_1-.Ltmp1, $4  }
0x32: {  	[hbm:s7], [sflag:s6] =	dma.local [spmem:s10], $0x52  }
0x33: {  	_ =	swait.ge [sflag:s11], $0x52  }
0x34: {  	[sflag:s11] =	ssyncset.done $0x0  }
0x35: {  	[sflag:s11] =	ssyncadd.s32 $0xFFFFFFAE  }
0x36: {  	_ =	sfence.sel $0x180000  }
0x37: {  	[bflag:$0x0] =	sbarrier.arrive $0xFFFF  }
0x38: {  	p0 =	sne.s32 s0, $0x0;
	_ =	strace $0x90000047  }
0x39: {  	s0 =	sadd.s32 @!p0 $0x100000, s1;
	[bflag:$0x2] =	sbarrier.arrive $0xFFFF  }
0x3a: {  	[sflag:s0] =	ssyncadd.tile.s32 @!p0 $0x1;
	_ =	shalt  }
.Lfunc_end2:
_tile_overlayer_lowered:
.L_overlay_start_2:
0x3b: {  	(tag) =	ssettag $0x2  }
0x3c: {  	s0 =	rddreg [dreg:$0x0];
	s2 =	stileid.u32  }
0x3d: {  	s1 =	rddreg [dreg:$0x1];
	p0 =	sne.s32 s2, $0x0  }
0x3e: {  	s3 =	rddreg [dreg:$0x2];
	[bflag:$0x3] =	sbarrier.arrive $0xFFFF;
	s2 =	simm.s32 @!p0 $0x1C01  }
0x3f: {  	[timem:s3], [sflag:s2] =	dma.local @!p0 [hbm:s0], s1  }
0x40: {  	s0 =	simm.s32 @!p0 $0x1  }
0x41: {  	_ =	swait.ge @!p0 [sflag:s0], s1  }
0x42: {  	s1 =	ssub.s32 @!p0 $0x0, s1;
	[sflag:s0] =	ssyncset.done @!p0 $0x0  }
0x43: {  	[sflag:s0] =	ssyncadd.s32 @!p0 s1  }
0x44: {  	[bflag:$0x3] =	sbarrier.arrive $0xFFFF  }
0x45: {  	_ =	shalt  }

</sc_bundles>
